<compile_context>
chip_gen: v7x
topology: tpu7x:2x2x1
jax: 0.10.2.dev20260603
libtpu: 0.0.44.dev20260713+nightly
codegen_flags: <defaults>
</compile_context>

<pallas_src>
import functools

import jax
import jax.numpy as jnp
from jax import lax
from jax.experimental import pallas as pl
from jax.experimental.pallas import tpu as pltpu
from jax.experimental.pallas import tpu_sc as plsc

NUM_EDGES_TOTAL = 3_200_000
DIM = 16
NC = 2
NS = 16
NW = NC * NS

G = 80
K = 10
CHUNK = G * K
PER_TILE = NUM_EDGES_TOTAL // NW
C = PER_TILE // CHUNK


@functools.partial(
    pl.kernel,
    out_type=jax.ShapeDtypeStruct((NUM_EDGES_TOTAL, DIM), jnp.float32),
    mesh=plsc.VectorSubcoreMesh(core_axis_name="c", subcore_axis_name="s"),
    compiler_params=pltpu.CompilerParams(use_tc_tiling_on_sc=False),
    scratch_types=[
        pltpu.VMEM((CHUNK,), jnp.int32),
        pltpu.VMEM((CHUNK, DIM), jnp.float32),
        pltpu.SemaphoreType.DMA,
    ],
)
def _sc_lookup(idx_hbm, table_hbm, out_hbm, idx_v, rows_v, sem):
    wid = lax.axis_index("s") * NC + lax.axis_index("c")

    def chunk_body(c, carry):
        base = (wid * C + c) * CHUNK
        pltpu.sync_copy(idx_hbm.at[pl.ds(base, CHUNK)], idx_v)
        copies = [
            pltpu.async_copy(
                table_hbm.at[idx_v.at[pl.ds(j * G, G)]],
                rows_v.at[pl.ds(j * G, G)],
                sem,
            )
            for j in range(K)
        ]
        for cp in copies:
            cp.wait()
        pltpu.sync_copy(rows_v, out_hbm.at[pl.ds((wid * C + c) * CHUNK, CHUNK)])
        return carry

    lax.fori_loop(0, C, chunk_body, 0)


def kernel(edge_types, embedding_weight):
    return _sc_lookup(edge_types.astype(jnp.int32), embedding_weight)

# --- scband reference (transcript-rebuilt; emitter-appended) ---
"""Pipeline reference for scband-edge-attribute-encoder-80118319940401 (READ-ONLY COPY).

The authoritative reference and input builder live on the scoring server;
editing this copy changes nothing except your own understanding.
"""

import jax, jax.numpy as jnp
import numpy as np

EDGE_TYPE_VOCAB = 64
EDGE_TYPE_DIM = 16
NUM_EDGES = 3200000


def setup_inputs(seed: int = 0) -> dict:
    key = jax.random.key(seed)
    k_idx, k_emb = jax.random.split(key)
    edge_types = jax.random.randint(k_idx, (NUM_EDGES,), 0, EDGE_TYPE_VOCAB, dtype=jnp.int64 if jax.config.jax_enable_x64 else jnp.int32)
    # nn.Embedding weight, init normal(mean=0, std=0.01) per module init
    embedding_weight = 0.01 * jax.random.normal(k_emb, (EDGE_TYPE_VOCAB, EDGE_TYPE_DIM), dtype=jnp.float32)
    return {"edge_types": edge_types, "embedding_weight": embedding_weight}


def reference(edge_types, embedding_weight):
    # Faithful translation of EdgeAttributeEncoder.forward (active path):
    # return self.embedding(edge_types) -> gather rows of the table
    return jnp.take(embedding_weight, edge_types, axis=0)

if __name__ == "__main__":
    import jax
    _d = setup_inputs()
    print(jax.jit(kernel)(*tuple(_d.values())))

</pallas_src>

<mosaic_0001>
#map = affine_map<(d0, d1) -> (0)>
#map1 = affine_map<(d0, d1) -> (0, 0)>
module attributes {stable_mosaic.version = 14 : i64} {
  func.func @_sc_lookup(%arg0: i32, %arg1: i32, %arg2: memref<3200000xi32, #tpu.memory_space<hbm>>, %arg3: memref<64x16xf32, #tpu.memory_space<hbm>>, %arg4: memref<3200000x16xf32, #tpu.memory_space<hbm>>, %arg5: memref<800xi32, #tpu.memory_space<vmem>>, %arg6: memref<800x16xf32, #tpu.memory_space<vmem>>, %arg7: memref<!tpu.dma_semaphore, #tpu.memory_space<semaphore_mem>>) attributes {dimension_semantics = [#tpu.dimension_semantics<core_parallel>, #tpu.dimension_semantics<subcore_parallel>], iteration_bounds = array<i64: 2, 16>, scalar_prefetch = 0 : i64, scratch_operands = 3 : i64, tpu.core_type = #tpu.core_type<sc_vector_subcore>, window_params = [{transform_indices = #map}, {transform_indices = #map1}, {transform_indices = #map1}]} {
    %mul3A = arith.constant 2 : i32
    %mul3A_0 = arith.muli %arg1, %mul3A : i32
    %add3A = arith.addi %mul3A_0, %arg0 : i32
    %scan3A = arith.constant 0 : i32
    %scan3A_1 = arith.constant 0 : i32
    %scan3A_2 = arith.constant 125 : i32
    %scan3A_3 = arith.addi %scan3A_1, %scan3A_2 : i32
    %scan3A_4 = arith.constant 1 : i32
    scf.for %scan3A_6 = %scan3A_1 to %scan3A_3 step %scan3A_4  : i32 {
      %mul3A_7 = arith.constant 125 : i32
      %mul3A_8 = arith.muli %add3A, %mul3A_7 : i32
      %add3A_9 = arith.addi %mul3A_8, %scan3A_6 : i32
      %mul3A_10 = arith.constant 800 : i32
      %mul3A_11 = arith.muli %add3A_9, %mul3A_10 : i32
      "tpu.region"() ({
        %run_scoped3A = tpu.sem_alloc : memref<!tpu.dma_semaphore, #tpu.memory_space<semaphore_mem>>
        %dma_start3A_175 = tpu.memref_slice %arg2[%mul3A_11] : memref<3200000xi32, #tpu.memory_space<hbm>> -> memref<800xi32, #tpu.memory_space<hbm>>
        %dma_start3A_176 = tpu.memref_slice %arg2[%mul3A_11] : memref<3200000xi32, #tpu.memory_space<hbm>> -> memref<800xi32, #tpu.memory_space<hbm>>
        tpu.enqueue_dma source(%dma_start3A_176 : memref<800xi32, #tpu.memory_space<hbm>>) target(%arg5 : memref<800xi32, #tpu.memory_space<vmem>>) target_semaphore(%run_scoped3A : memref<!tpu.dma_semaphore, #tpu.memory_space<semaphore_mem>>)
        %dma_wait3A_177 = tpu.memref_slice %arg2[%mul3A_11] : memref<3200000xi32, #tpu.memory_space<hbm>> -> memref<800xi32, #tpu.memory_space<hbm>>
        %dma_wait3A_178 = tpu.memref_slice %arg2[%mul3A_11] : memref<3200000xi32, #tpu.memory_space<hbm>> -> memref<800xi32, #tpu.memory_space<hbm>>
        tpu.wait_dma2 semaphore(%run_scoped3A : memref<!tpu.dma_semaphore, #tpu.memory_space<semaphore_mem>>) src(%dma_wait3A_178 : memref<800xi32, #tpu.memory_space<hbm>>) dst(%arg5 : memref<800xi32, #tpu.memory_space<vmem>>)
        tpu.yield
      }) : () -> ()
      %dma_start3A = arith.constant 0 : i32
      %dma_start3A_12 = arith.constant 0 : i32
      %dma_start3A_13 = tpu.memref_slice %arg6[%dma_start3A, %dma_start3A_12] : memref<800x16xf32, #tpu.memory_space<vmem>> -> memref<80x16xf32, #tpu.memory_space<vmem>>
      %dma_start3A_14 = arith.constant 0 : i32
      %dma_start3A_15 = tpu.memref_slice %arg5[%dma_start3A_14] : memref<800xi32, #tpu.memory_space<vmem>> -> memref<80xi32, #tpu.memory_space<vmem>>
      %dma_start3A_16 = arith.constant 0 : i32
      %dma_start3A_17 = arith.constant 0 : i32
      %dma_start3A_18 = tpu.memref_slice %arg3[%dma_start3A_16, %dma_start3A_17] : memref<64x16xf32, #tpu.memory_space<hbm>> -> memref<64x16xf32, #tpu.memory_space<hbm>>
      tpu.enqueue_indirect_dma source(%dma_start3A_18 : memref<64x16xf32, #tpu.memory_space<hbm>>) target(%dma_start3A_13 : memref<80x16xf32, #tpu.memory_space<vmem>>) offsets(%dma_start3A_15 : memref<80xi32, #tpu.memory_space<vmem>>) semaphore(%arg7 : memref<!tpu.dma_semaphore, #tpu.memory_space<semaphore_mem>>)
      %dma_start3A_19 = arith.constant 80 : i32
      %dma_start3A_20 = arith.constant 0 : i32
      %dma_start3A_21 = tpu.memref_slice %arg6[%dma_start3A_19, %dma_start3A_20] : memref<800x16xf32, #tpu.memory_space<vmem>> -> memref<80x16xf32, #tpu.memory_space<vmem>>
      %dma_start3A_22 = arith.constant 80 : i32
      %dma_start3A_23 = tpu.memref_slice %arg5[%dma_start3A_22] : memref<800xi32, #tpu.memory_space<vmem>> -> memref<80xi32, #tpu.memory_space<vmem>>
      %dma_start3A_24 = arith.constant 0 : i32
      %dma_start3A_25 = arith.constant 0 : i32
      %dma_start3A_26 = tpu.memref_slice %arg3[%dma_start3A_24, %dma_start3A_25] : memref<64x16xf32, #tpu.memory_space<hbm>> -> memref<64x16xf32, #tpu.memory_space<hbm>>
      tpu.enqueue_indirect_dma source(%dma_start3A_26 : memref<64x16xf32, #tpu.memory_space<hbm>>) target(%dma_start3A_21 : memref<80x16xf32, #tpu.memory_space<vmem>>) offsets(%dma_start3A_23 : memref<80xi32, #tpu.memory_space<vmem>>) semaphore(%arg7 : memref<!tpu.dma_semaphore, #tpu.memory_space<semaphore_mem>>)
      %dma_start3A_27 = arith.constant 160 : i32
      %dma_start3A_28 = arith.constant 0 : i32
      %dma_start3A_29 = tpu.memref_slice %arg6[%dma_start3A_27, %dma_start3A_28] : memref<800x16xf32, #tpu.memory_space<vmem>> -> memref<80x16xf32, #tpu.memory_space<vmem>>
      %dma_start3A_30 = arith.constant 160 : i32
      %dma_start3A_31 = tpu.memref_slice %arg5[%dma_start3A_30] : memref<800xi32, #tpu.memory_space<vmem>> -> memref<80xi32, #tpu.memory_space<vmem>>
      %dma_start3A_32 = arith.constant 0 : i32
      %dma_start3A_33 = arith.constant 0 : i32
      %dma_start3A_34 = tpu.memref_slice %arg3[%dma_start3A_32, %dma_start3A_33] : memref<64x16xf32, #tpu.memory_space<hbm>> -> memref<64x16xf32, #tpu.memory_space<hbm>>
      tpu.enqueue_indirect_dma source(%dma_start3A_34 : memref<64x16xf32, #tpu.memory_space<hbm>>) target(%dma_start3A_29 : memref<80x16xf32, #tpu.memory_space<vmem>>) offsets(%dma_start3A_31 : memref<80xi32, #tpu.memory_space<vmem>>) semaphore(%arg7 : memref<!tpu.dma_semaphore, #tpu.memory_space<semaphore_mem>>)
      %dma_start3A_35 = arith.constant 240 : i32
      %dma_start3A_36 = arith.constant 0 : i32
      %dma_start3A_37 = tpu.memref_slice %arg6[%dma_start3A_35, %dma_start3A_36] : memref<800x16xf32, #tpu.memory_space<vmem>> -> memref<80x16xf32, #tpu.memory_space<vmem>>
      %dma_start3A_38 = arith.constant 240 : i32
      %dma_start3A_39 = tpu.memref_slice %arg5[%dma_start3A_38] : memref<800xi32, #tpu.memory_space<vmem>> -> memref<80xi32, #tpu.memory_space<vmem>>
      %dma_start3A_40 = arith.constant 0 : i32
      %dma_start3A_41 = arith.constant 0 : i32
      %dma_start3A_42 = tpu.memref_slice %arg3[%dma_start3A_40, %dma_start3A_41] : memref<64x16xf32, #tpu.memory_space<hbm>> -> memref<64x16xf32, #tpu.memory_space<hbm>>
      tpu.enqueue_indirect_dma source(%dma_start3A_42 : memref<64x16xf32, #tpu.memory_space<hbm>>) target(%dma_start3A_37 : memref<80x16xf32, #tpu.memory_space<vmem>>) offsets(%dma_start3A_39 : memref<80xi32, #tpu.memory_space<vmem>>) semaphore(%arg7 : memref<!tpu.dma_semaphore, #tpu.memory_space<semaphore_mem>>)
      %dma_start3A_43 = arith.constant 320 : i32
      %dma_start3A_44 = arith.constant 0 : i32
      %dma_start3A_45 = tpu.memref_slice %arg6[%dma_start3A_43, %dma_start3A_44] : memref<800x16xf32, #tpu.memory_space<vmem>> -> memref<80x16xf32, #tpu.memory_space<vmem>>
      %dma_start3A_46 = arith.constant 320 : i32
      %dma_start3A_47 = tpu.memref_slice %arg5[%dma_start3A_46] : memref<800xi32, #tpu.memory_space<vmem>> -> memref<80xi32, #tpu.memory_space<vmem>>
      %dma_start3A_48 = arith.constant 0 : i32
      %dma_start3A_49 = arith.constant 0 : i32
      %dma_start3A_50 = tpu.memref_slice %arg3[%dma_start3A_48, %dma_start3A_49] : memref<64x16xf32, #tpu.memory_space<hbm>> -> memref<64x16xf32, #tpu.memory_space<hbm>>
      tpu.enqueue_indirect_dma source(%dma_start3A_50 : memref<64x16xf32, #tpu.memory_space<hbm>>) target(%dma_start3A_45 : memref<80x16xf32, #tpu.memory_space<vmem>>) offsets(%dma_start3A_47 : memref<80xi32, #tpu.memory_space<vmem>>) semaphore(%arg7 : memref<!tpu.dma_semaphore, #tpu.memory_space<semaphore_mem>>)
      %dma_start3A_51 = arith.constant 400 : i32
      %dma_start3A_52 = arith.constant 0 : i32
      %dma_start3A_53 = tpu.memref_slice %arg6[%dma_start3A_51, %dma_start3A_52] : memref<800x16xf32, #tpu.memory_space<vmem>> -> memref<80x16xf32, #tpu.memory_space<vmem>>
      %dma_start3A_54 = arith.constant 400 : i32
      %dma_start3A_55 = tpu.memref_slice %arg5[%dma_start3A_54] : memref<800xi32, #tpu.memory_space<vmem>> -> memref<80xi32, #tpu.memory_space<vmem>>
      %dma_start3A_56 = arith.constant 0 : i32
      %dma_start3A_57 = arith.constant 0 : i32
      %dma_start3A_58 = tpu.memref_slice %arg3[%dma_start3A_56, %dma_start3A_57] : memref<64x16xf32, #tpu.memory_space<hbm>> -> memref<64x16xf32, #tpu.memory_space<hbm>>
      tpu.enqueue_indirect_dma source(%dma_start3A_58 : memref<64x16xf32, #tpu.memory_space<hbm>>) target(%dma_start3A_53 : memref<80x16xf32, #tpu.memory_space<vmem>>) offsets(%dma_start3A_55 : memref<80xi32, #tpu.memory_space<vmem>>) semaphore(%arg7 : memref<!tpu.dma_semaphore, #tpu.memory_space<semaphore_mem>>)
      %dma_start3A_59 = arith.constant 480 : i32
      %dma_start3A_60 = arith.constant 0 : i32
      %dma_start3A_61 = tpu.memref_slice %arg6[%dma_start3A_59, %dma_start3A_60] : memref<800x16xf32, #tpu.memory_space<vmem>> -> memref<80x16xf32, #tpu.memory_space<vmem>>
      %dma_start3A_62 = arith.constant 480 : i32
      %dma_start3A_63 = tpu.memref_slice %arg5[%dma_start3A_62] : memref<800xi32, #tpu.memory_space<vmem>> -> memref<80xi32, #tpu.memory_space<vmem>>
      %dma_start3A_64 = arith.constant 0 : i32
      %dma_start3A_65 = arith.constant 0 : i32
      %dma_start3A_66 = tpu.memref_slice %arg3[%dma_start3A_64, %dma_start3A_65] : memref<64x16xf32, #tpu.memory_space<hbm>> -> memref<64x16xf32, #tpu.memory_space<hbm>>
      tpu.enqueue_indirect_dma source(%dma_start3A_66 : memref<64x16xf32, #tpu.memory_space<hbm>>) target(%dma_start3A_61 : memref<80x16xf32, #tpu.memory_space<vmem>>) offsets(%dma_start3A_63 : memref<80xi32, #tpu.memory_space<vmem>>) semaphore(%arg7 : memref<!tpu.dma_semaphore, #tpu.memory_space<semaphore_mem>>)
      %dma_start3A_67 = arith.constant 560 : i32
      %dma_start3A_68 = arith.constant 0 : i32
      %dma_start3A_69 = tpu.memref_slice %arg6[%dma_start3A_67, %dma_start3A_68] : memref<800x16xf32, #tpu.memory_space<vmem>> -> memref<80x16xf32, #tpu.memory_space<vmem>>
      %dma_start3A_70 = arith.constant 560 : i32
      %dma_start3A_71 = tpu.memref_slice %arg5[%dma_start3A_70] : memref<800xi32, #tpu.memory_space<vmem>> -> memref<80xi32, #tpu.memory_space<vmem>>
      %dma_start3A_72 = arith.constant 0 : i32
      %dma_start3A_73 = arith.constant 0 : i32
      %dma_start3A_74 = tpu.memref_slice %arg3[%dma_start3A_72, %dma_start3A_73] : memref<64x16xf32, #tpu.memory_space<hbm>> -> memref<64x16xf32, #tpu.memory_space<hbm>>
      tpu.enqueue_indirect_dma source(%dma_start3A_74 : memref<64x16xf32, #tpu.memory_space<hbm>>) target(%dma_start3A_69 : memref<80x16xf32, #tpu.memory_space<vmem>>) offsets(%dma_start3A_71 : memref<80xi32, #tpu.memory_space<vmem>>) semaphore(%arg7 : memref<!tpu.dma_semaphore, #tpu.memory_space<semaphore_mem>>)
      %dma_start3A_75 = arith.constant 640 : i32
      %dma_start3A_76 = arith.constant 0 : i32
      %dma_start3A_77 = tpu.memref_slice %arg6[%dma_start3A_75, %dma_start3A_76] : memref<800x16xf32, #tpu.memory_space<vmem>> -> memref<80x16xf32, #tpu.memory_space<vmem>>
      %dma_start3A_78 = arith.constant 640 : i32
      %dma_start3A_79 = tpu.memref_slice %arg5[%dma_start3A_78] : memref<800xi32, #tpu.memory_space<vmem>> -> memref<80xi32, #tpu.memory_space<vmem>>
      %dma_start3A_80 = arith.constant 0 : i32
      %dma_start3A_81 = arith.constant 0 : i32
      %dma_start3A_82 = tpu.memref_slice %arg3[%dma_start3A_80, %dma_start3A_81] : memref<64x16xf32, #tpu.memory_space<hbm>> -> memref<64x16xf32, #tpu.memory_space<hbm>>
      tpu.enqueue_indirect_dma source(%dma_start3A_82 : memref<64x16xf32, #tpu.memory_space<hbm>>) target(%dma_start3A_77 : memref<80x16xf32, #tpu.memory_space<vmem>>) offsets(%dma_start3A_79 : memref<80xi32, #tpu.memory_space<vmem>>) semaphore(%arg7 : memref<!tpu.dma_semaphore, #tpu.memory_space<semaphore_mem>>)
      %dma_start3A_83 = arith.constant 720 : i32
      %dma_start3A_84 = arith.constant 0 : i32
      %dma_start3A_85 = tpu.memref_slice %arg6[%dma_start3A_83, %dma_start3A_84] : memref<800x16xf32, #tpu.memory_space<vmem>> -> memref<80x16xf32, #tpu.memory_space<vmem>>
      %dma_start3A_86 = arith.constant 720 : i32
      %dma_start3A_87 = tpu.memref_slice %arg5[%dma_start3A_86] : memref<800xi32, #tpu.memory_space<vmem>> -> memref<80xi32, #tpu.memory_space<vmem>>
      %dma_start3A_88 = arith.constant 0 : i32
      %dma_start3A_89 = arith.constant 0 : i32
      %dma_start3A_90 = tpu.memref_slice %arg3[%dma_start3A_88, %dma_start3A_89] : memref<64x16xf32, #tpu.memory_space<hbm>> -> memref<64x16xf32, #tpu.memory_space<hbm>>
      tpu.enqueue_indirect_dma source(%dma_start3A_90 : memref<64x16xf32, #tpu.memory_space<hbm>>) target(%dma_start3A_85 : memref<80x16xf32, #tpu.memory_space<vmem>>) offsets(%dma_start3A_87 : memref<80xi32, #tpu.memory_space<vmem>>) semaphore(%arg7 : memref<!tpu.dma_semaphore, #tpu.memory_space<semaphore_mem>>)
      %dma_wait3A = arith.constant 0 : i32
      %dma_wait3A_91 = arith.constant 0 : i32
      %dma_wait3A_92 = tpu.memref_slice %arg6[%dma_wait3A, %dma_wait3A_91] : memref<800x16xf32, #tpu.memory_space<vmem>> -> memref<80x16xf32, #tpu.memory_space<vmem>>
      %dma_wait3A_93 = arith.constant 0 : i32
      %dma_wait3A_94 = tpu.memref_slice %arg5[%dma_wait3A_93] : memref<800xi32, #tpu.memory_space<vmem>> -> memref<80xi32, #tpu.memory_space<vmem>>
      %dma_wait3A_95 = arith.constant 0 : i32
      %dma_wait3A_96 = arith.constant 0 : i32
      %dma_wait3A_97 = tpu.memref_slice %arg3[%dma_wait3A_95, %dma_wait3A_96] : memref<64x16xf32, #tpu.memory_space<hbm>> -> memref<64x16xf32, #tpu.memory_space<hbm>>
      tpu.wait_indirect_dma semaphore(%arg7 : memref<!tpu.dma_semaphore, #tpu.memory_space<semaphore_mem>>) src(%dma_wait3A_97 : memref<64x16xf32, #tpu.memory_space<hbm>>) dst(%dma_wait3A_92 : memref<80x16xf32, #tpu.memory_space<vmem>>)
      %dma_wait3A_98 = arith.constant 80 : i32
      %dma_wait3A_99 = arith.constant 0 : i32
      %dma_wait3A_100 = tpu.memref_slice %arg6[%dma_wait3A_98, %dma_wait3A_99] : memref<800x16xf32, #tpu.memory_space<vmem>> -> memref<80x16xf32, #tpu.memory_space<vmem>>
      %dma_wait3A_101 = arith.constant 80 : i32
      %dma_wait3A_102 = tpu.memref_slice %arg5[%dma_wait3A_101] : memref<800xi32, #tpu.memory_space<vmem>> -> memref<80xi32, #tpu.memory_space<vmem>>
      %dma_wait3A_103 = arith.constant 0 : i32
      %dma_wait3A_104 = arith.constant 0 : i32
      %dma_wait3A_105 = tpu.memref_slice %arg3[%dma_wait3A_103, %dma_wait3A_104] : memref<64x16xf32, #tpu.memory_space<hbm>> -> memref<64x16xf32, #tpu.memory_space<hbm>>
      tpu.wait_indirect_dma semaphore(%arg7 : memref<!tpu.dma_semaphore, #tpu.memory_space<semaphore_mem>>) src(%dma_wait3A_105 : memref<64x16xf32, #tpu.memory_space<hbm>>) dst(%dma_wait3A_100 : memref<80x16xf32, #tpu.memory_space<vmem>>)
      %dma_wait3A_106 = arith.constant 160 : i32
      %dma_wait3A_107 = arith.constant 0 : i32
      %dma_wait3A_108 = tpu.memref_slice %arg6[%dma_wait3A_106, %dma_wait3A_107] : memref<800x16xf32, #tpu.memory_space<vmem>> -> memref<80x16xf32, #tpu.memory_space<vmem>>
      %dma_wait3A_109 = arith.constant 160 : i32
      %dma_wait3A_110 = tpu.memref_slice %arg5[%dma_wait3A_109] : memref<800xi32, #tpu.memory_space<vmem>> -> memref<80xi32, #tpu.memory_space<vmem>>
      %dma_wait3A_111 = arith.constant 0 : i32
      %dma_wait3A_112 = arith.constant 0 : i32
      %dma_wait3A_113 = tpu.memref_slice %arg3[%dma_wait3A_111, %dma_wait3A_112] : memref<64x16xf32, #tpu.memory_space<hbm>> -> memref<64x16xf32, #tpu.memory_space<hbm>>
      tpu.wait_indirect_dma semaphore(%arg7 : memref<!tpu.dma_semaphore, #tpu.memory_space<semaphore_mem>>) src(%dma_wait3A_113 : memref<64x16xf32, #tpu.memory_space<hbm>>) dst(%dma_wait3A_108 : memref<80x16xf32, #tpu.memory_space<vmem>>)
      %dma_wait3A_114 = arith.constant 240 : i32
      %dma_wait3A_115 = arith.constant 0 : i32
      %dma_wait3A_116 = tpu.memref_slice %arg6[%dma_wait3A_114, %dma_wait3A_115] : memref<800x16xf32, #tpu.memory_space<vmem>> -> memref<80x16xf32, #tpu.memory_space<vmem>>
      %dma_wait3A_117 = arith.constant 240 : i32
      %dma_wait3A_118 = tpu.memref_slice %arg5[%dma_wait3A_117] : memref<800xi32, #tpu.memory_space<vmem>> -> memref<80xi32, #tpu.memory_space<vmem>>
      %dma_wait3A_119 = arith.constant 0 : i32
      %dma_wait3A_120 = arith.constant 0 : i32
      %dma_wait3A_121 = tpu.memref_slice %arg3[%dma_wait3A_119, %dma_wait3A_120] : memref<64x16xf32, #tpu.memory_space<hbm>> -> memref<64x16xf32, #tpu.memory_space<hbm>>
      tpu.wait_indirect_dma semaphore(%arg7 : memref<!tpu.dma_semaphore, #tpu.memory_space<semaphore_mem>>) src(%dma_wait3A_121 : memref<64x16xf32, #tpu.memory_space<hbm>>) dst(%dma_wait3A_116 : memref<80x16xf32, #tpu.memory_space<vmem>>)
      %dma_wait3A_122 = arith.constant 320 : i32
      %dma_wait3A_123 = arith.constant 0 : i32
      %dma_wait3A_124 = tpu.memref_slice %arg6[%dma_wait3A_122, %dma_wait3A_123] : memref<800x16xf32, #tpu.memory_space<vmem>> -> memref<80x16xf32, #tpu.memory_space<vmem>>
      %dma_wait3A_125 = arith.constant 320 : i32
      %dma_wait3A_126 = tpu.memref_slice %arg5[%dma_wait3A_125] : memref<800xi32, #tpu.memory_space<vmem>> -> memref<80xi32, #tpu.memory_space<vmem>>
      %dma_wait3A_127 = arith.constant 0 : i32
      %dma_wait3A_128 = arith.constant 0 : i32
      %dma_wait3A_129 = tpu.memref_slice %arg3[%dma_wait3A_127, %dma_wait3A_128] : memref<64x16xf32, #tpu.memory_space<hbm>> -> memref<64x16xf32, #tpu.memory_space<hbm>>
      tpu.wait_indirect_dma semaphore(%arg7 : memref<!tpu.dma_semaphore, #tpu.memory_space<semaphore_mem>>) src(%dma_wait3A_129 : memref<64x16xf32, #tpu.memory_space<hbm>>) dst(%dma_wait3A_124 : memref<80x16xf32, #tpu.memory_space<vmem>>)
      %dma_wait3A_130 = arith.constant 400 : i32
      %dma_wait3A_131 = arith.constant 0 : i32
      %dma_wait3A_132 = tpu.memref_slice %arg6[%dma_wait3A_130, %dma_wait3A_131] : memref<800x16xf32, #tpu.memory_space<vmem>> -> memref<80x16xf32, #tpu.memory_space<vmem>>
      %dma_wait3A_133 = arith.constant 400 : i32
      %dma_wait3A_134 = tpu.memref_slice %arg5[%dma_wait3A_133] : memref<800xi32, #tpu.memory_space<vmem>> -> memref<80xi32, #tpu.memory_space<vmem>>
      %dma_wait3A_135 = arith.constant 0 : i32
      %dma_wait3A_136 = arith.constant 0 : i32
      %dma_wait3A_137 = tpu.memref_slice %arg3[%dma_wait3A_135, %dma_wait3A_136] : memref<64x16xf32, #tpu.memory_space<hbm>> -> memref<64x16xf32, #tpu.memory_space<hbm>>
      tpu.wait_indirect_dma semaphore(%arg7 : memref<!tpu.dma_semaphore, #tpu.memory_space<semaphore_mem>>) src(%dma_wait3A_137 : memref<64x16xf32, #tpu.memory_space<hbm>>) dst(%dma_wait3A_132 : memref<80x16xf32, #tpu.memory_space<vmem>>)
      %dma_wait3A_138 = arith.constant 480 : i32
      %dma_wait3A_139 = arith.constant 0 : i32
      %dma_wait3A_140 = tpu.memref_slice %arg6[%dma_wait3A_138, %dma_wait3A_139] : memref<800x16xf32, #tpu.memory_space<vmem>> -> memref<80x16xf32, #tpu.memory_space<vmem>>
      %dma_wait3A_141 = arith.constant 480 : i32
      %dma_wait3A_142 = tpu.memref_slice %arg5[%dma_wait3A_141] : memref<800xi32, #tpu.memory_space<vmem>> -> memref<80xi32, #tpu.memory_space<vmem>>
      %dma_wait3A_143 = arith.constant 0 : i32
      %dma_wait3A_144 = arith.constant 0 : i32
      %dma_wait3A_145 = tpu.memref_slice %arg3[%dma_wait3A_143, %dma_wait3A_144] : memref<64x16xf32, #tpu.memory_space<hbm>> -> memref<64x16xf32, #tpu.memory_space<hbm>>
      tpu.wait_indirect_dma semaphore(%arg7 : memref<!tpu.dma_semaphore, #tpu.memory_space<semaphore_mem>>) src(%dma_wait3A_145 : memref<64x16xf32, #tpu.memory_space<hbm>>) dst(%dma_wait3A_140 : memref<80x16xf32, #tpu.memory_space<vmem>>)
      %dma_wait3A_146 = arith.constant 560 : i32
      %dma_wait3A_147 = arith.constant 0 : i32
      %dma_wait3A_148 = tpu.memref_slice %arg6[%dma_wait3A_146, %dma_wait3A_147] : memref<800x16xf32, #tpu.memory_space<vmem>> -> memref<80x16xf32, #tpu.memory_space<vmem>>
      %dma_wait3A_149 = arith.constant 560 : i32
      %dma_wait3A_150 = tpu.memref_slice %arg5[%dma_wait3A_149] : memref<800xi32, #tpu.memory_space<vmem>> -> memref<80xi32, #tpu.memory_space<vmem>>
      %dma_wait3A_151 = arith.constant 0 : i32
      %dma_wait3A_152 = arith.constant 0 : i32
      %dma_wait3A_153 = tpu.memref_slice %arg3[%dma_wait3A_151, %dma_wait3A_152] : memref<64x16xf32, #tpu.memory_space<hbm>> -> memref<64x16xf32, #tpu.memory_space<hbm>>
      tpu.wait_indirect_dma semaphore(%arg7 : memref<!tpu.dma_semaphore, #tpu.memory_space<semaphore_mem>>) src(%dma_wait3A_153 : memref<64x16xf32, #tpu.memory_space<hbm>>) dst(%dma_wait3A_148 : memref<80x16xf32, #tpu.memory_space<vmem>>)
      %dma_wait3A_154 = arith.constant 640 : i32
      %dma_wait3A_155 = arith.constant 0 : i32
      %dma_wait3A_156 = tpu.memref_slice %arg6[%dma_wait3A_154, %dma_wait3A_155] : memref<800x16xf32, #tpu.memory_space<vmem>> -> memref<80x16xf32, #tpu.memory_space<vmem>>
      %dma_wait3A_157 = arith.constant 640 : i32
      %dma_wait3A_158 = tpu.memref_slice %arg5[%dma_wait3A_157] : memref<800xi32, #tpu.memory_space<vmem>> -> memref<80xi32, #tpu.memory_space<vmem>>
      %dma_wait3A_159 = arith.constant 0 : i32
      %dma_wait3A_160 = arith.constant 0 : i32
      %dma_wait3A_161 = tpu.memref_slice %arg3[%dma_wait3A_159, %dma_wait3A_160] : memref<64x16xf32, #tpu.memory_space<hbm>> -> memref<64x16xf32, #tpu.memory_space<hbm>>
      tpu.wait_indirect_dma semaphore(%arg7 : memref<!tpu.dma_semaphore, #tpu.memory_space<semaphore_mem>>) src(%dma_wait3A_161 : memref<64x16xf32, #tpu.memory_space<hbm>>) dst(%dma_wait3A_156 : memref<80x16xf32, #tpu.memory_space<vmem>>)
      %dma_wait3A_162 = arith.constant 720 : i32
      %dma_wait3A_163 = arith.constant 0 : i32
      %dma_wait3A_164 = tpu.memref_slice %arg6[%dma_wait3A_162, %dma_wait3A_163] : memref<800x16xf32, #tpu.memory_space<vmem>> -> memref<80x16xf32, #tpu.memory_space<vmem>>
      %dma_wait3A_165 = arith.constant 720 : i32
      %dma_wait3A_166 = tpu.memref_slice %arg5[%dma_wait3A_165] : memref<800xi32, #tpu.memory_space<vmem>> -> memref<80xi32, #tpu.memory_space<vmem>>
      %dma_wait3A_167 = arith.constant 0 : i32
      %dma_wait3A_168 = arith.constant 0 : i32
      %dma_wait3A_169 = tpu.memref_slice %arg3[%dma_wait3A_167, %dma_wait3A_168] : memref<64x16xf32, #tpu.memory_space<hbm>> -> memref<64x16xf32, #tpu.memory_space<hbm>>
      tpu.wait_indirect_dma semaphore(%arg7 : memref<!tpu.dma_semaphore, #tpu.memory_space<semaphore_mem>>) src(%dma_wait3A_169 : memref<64x16xf32, #tpu.memory_space<hbm>>) dst(%dma_wait3A_164 : memref<80x16xf32, #tpu.memory_space<vmem>>)
      %mul3A_170 = arith.constant 125 : i32
      %mul3A_171 = arith.muli %add3A, %mul3A_170 : i32
      %add3A_172 = arith.addi %mul3A_171, %scan3A_6 : i32
      %mul3A_173 = arith.constant 800 : i32
      %mul3A_174 = arith.muli %add3A_172, %mul3A_173 : i32
      "tpu.region"() ({
        %run_scoped3A = tpu.sem_alloc : memref<!tpu.dma_semaphore, #tpu.memory_space<semaphore_mem>>
        %dma_start3A_175 = arith.constant 0 : i32
        %dma_start3A_176 = tpu.memref_slice %arg4[%mul3A_174, %dma_start3A_175] : memref<3200000x16xf32, #tpu.memory_space<hbm>> -> memref<800x16xf32, #tpu.memory_space<hbm>>
        %dma_start3A_177 = arith.constant 0 : i32
        %dma_start3A_178 = tpu.memref_slice %arg4[%mul3A_174, %dma_start3A_177] : memref<3200000x16xf32, #tpu.memory_space<hbm>> -> memref<800x16xf32, #tpu.memory_space<hbm>>
        tpu.enqueue_dma source(%arg6 : memref<800x16xf32, #tpu.memory_space<vmem>>) target(%dma_start3A_178 : memref<800x16xf32, #tpu.memory_space<hbm>>) target_semaphore(%run_scoped3A : memref<!tpu.dma_semaphore, #tpu.memory_space<semaphore_mem>>)
        %dma_wait3A_179 = arith.constant 0 : i32
        %dma_wait3A_180 = tpu.memref_slice %arg4[%mul3A_174, %dma_wait3A_179] : memref<3200000x16xf32, #tpu.memory_space<hbm>> -> memref<800x16xf32, #tpu.memory_space<hbm>>
        %dma_wait3A_181 = arith.constant 0 : i32
        %dma_wait3A_182 = tpu.memref_slice %arg4[%mul3A_174, %dma_wait3A_181] : memref<3200000x16xf32, #tpu.memory_space<hbm>> -> memref<800x16xf32, #tpu.memory_space<hbm>>
        tpu.wait_dma2 semaphore(%run_scoped3A : memref<!tpu.dma_semaphore, #tpu.memory_space<semaphore_mem>>) src(%arg6 : memref<800x16xf32, #tpu.memory_space<vmem>>) dst(%dma_wait3A_182 : memref<800x16xf32, #tpu.memory_space<hbm>>)
        tpu.yield
      }) : () -> ()
    }
    %scan3A_5 = arith.constant 125 : i32
    return
  }
}

</mosaic_0001>

<sc_bundles>
// kernel: kernel.3.cloned.1.call-start
scs
__scs_entry_jumppad:
0x0: {  	(pc) =	sbr.rel $0x88, $3  }
0x1: {  	(tag) =	ssettag $0x0;
	lr =	simm.s32 $0x1  }
0x2: {  	[smem:$0x3F9F] =	sst lr;
	_ =	strace $0xD0000000  }
0x3: {  	_ = 	snop  }
0x4: {  	_ = 	snop  }
0x5: {  	_ = 	snop  }
0x6: {  	_ = 	snop  }
0x7: {  	_ = 	snop  }
__scs_overlays_trampoline_lowered:
0x8: {  	[smem:$0x3FAE] =	sst s0  }
0x9: {  	[smem:$0x3FAF] =	sst s1  }
0xa: {  	[smem:$0x3FB0] =	sst s2  }
0xb: {  	[smem:$0x3FB1] =	sst s3  }
0xc: {  	[smem:$0x3FB2] =	sst s4  }
0xd: {  	[smem:$0x3FB3] =	sst s5  }
0xe: {  	[smem:$0x3FB4] =	sst s6  }
0xf: {  	[smem:$0x3FB5] =	sst s7  }
0x10: {  	[smem:$0x3FB6] =	sst s8  }
0x11: {  	[smem:$0x3FB7] =	sst s9;
	s0 =	simm.s32 @!p0 $0x0  }
0x12: {  	s1 =	sld [smem:$0x3F9D];
	s0 =	simm.s32 @p0 $0x1  }
0x13: {  	[smem:$0x3FB8] =	sst s0;
	s0 =	simm.s32 @!p1 $0x0  }
0x14: {  	s2 =	sld [smem:$0x3F9C];
	s0 =	simm.s32 @p1 $0x1  }
0x15: {  	[smem:$0x3FB9] =	sst s0;
	s0 =	simm.s32 @!p2 $0x0  }
0x16: {  	s3 =	sld [smem:$0x3FDB];
	s0 =	simm.s32 @p2 $0x1  }
0x17: {  	s4 =	simm.s32 $0x1BF5;
	[smem:$0x3FBB] =	sst s0  }
0x18: {  	s0 =	sld [smem:$0x3F9E];
	_ =	swait.ge [sflag:s4], $0x0  }
0x19: {  	s7 =	sld [smem:$0x3F9F]  }
0x1a: {  	s8 =	sadd.s32 $0xFFFFE003, lr  }
0x1b: {  	s9 =	sadd.s32 $0xFFFFFEF7, lr;
	s5 =	simm.s32 $0xFFFFFFFF;
	p2 =	slt.u32 s8, $0xFFFFF086  }
0x1c: {  	p1 =	slt.u32 s9, $0xF7A;
	s5 =	simm.s32 @!p2 $0x0  }
0x1d: {  	s5 =	simm.s32 @p1 $0x1;
	p0 =	seq.s32 s7, s2  }
0x1e: {  	s7 =	smul.u32 @!p0 $0xF7A, s2;
	p2 =	seq.s32 @!p0 s5, $0x0  }
0x1f: {  	s9 =	smul.u32 $0xF7A, s1;
	s8 =	simm.s32 @!p0 $0x1BF5;
	p2 =	por !p2, p0  }
0x20: {  	[sflag:s8] =	ssyncset.s32 @!p0 $0xFFFFF086;
	s6 =	sadd.s32 @!p0 s3, s7;
	s7 =	simm.s32 @!p0 $0x108  }
0x21: {  	s3 =	sadd.s32 s3, s9;
	s6 =	sadd.s32 @!p0 $0x88, s6;
	s7 =	simm.s32 @p2 $0x1082  }
0x22: {  	[simem:s7], [sflag:s8] =	dma.local @!p0 [hbm:s6], $0xF7A  }
0x23: {  	s9 =	sor.u32 $0xD0000000, s2;
	s6 =	simm.s32 $0x108;
	_ =	swait.ge @!p0 [sflag:s8], $0x0  }
0x24: {  	s3 =	sadd.s32 $0x88, s3;
	s6 =	simm.s32 @!p1 $0x1082;
	[sflag:s4] =	ssyncset.s32 $0xFFFFF086  }
0x25: {  	[simem:s6], [sflag:s4] =	dma.local [hbm:s3], $0xF7A  }
0x26: {  	[smem:$0x3F9F] =	sst s1;
	(tag) =	ssettag s2;
	_ =	strace s9  }
0x27: {  	s1 =	sld [smem:$0x3FAF]  }
0x28: {  	s2 =	sld [smem:$0x3FB0]  }
0x29: {  	s4 =	sld [smem:$0x3FB2]  }
0x2a: {  	p0 =	seq.s32 s5, $0x0;
	s5 =	sld [smem:$0x3FB3]  }
0x2b: {  	s6 =	sld [smem:$0x3FB4]  }
0x2c: {  	s7 =	sld [smem:$0x3FB5]  }
0x2d: {  	s3 =	simm.s32 $0x108;
	s8 =	sld [smem:$0x3FB6]  }
0x2e: {  	s3 =	simm.s32 @!p0 $0x1082;
	s9 =	sld [smem:$0x3FB7]  }
0x2f: {  	lr =	sadd.s32 s0, s3;
	s0 =	sld [smem:$0x3FAE]  }
0x30: {  	s3 =	sld [smem:$0x3FB1]  }
0x31: {  	[smem:$0x3FBA] =	sst s10  }
0x32: {  	s10 =	sld [smem:$0x3FB8];
	_ =	sdelay $0x3  }
0x33: {  	p0 =	seq.s32 s10, $0x1;
	s10 =	sld [smem:$0x3FBA];
	_ =	sdelay $0x3  }
0x34: {  	[smem:$0x3FBA] =	sst s10  }
0x35: {  	s10 =	sld [smem:$0x3FB9];
	_ =	sdelay $0x3  }
0x36: {  	p1 =	seq.s32 s10, $0x1;
	s10 =	sld [smem:$0x3FBA];
	_ =	sdelay $0x3  }
0x37: {  	[smem:$0x3FBA] =	sst s10  }
0x38: {  	s10 =	sld [smem:$0x3FBB]  }
0x39: {  	_ = 	snop;
	(pc) =	sbr.ind lr, $3  }
0x3a: {  	_ = 	snop  }
0x3b: {  	_ = 	snop  }
0x3c: {  	p2 =	seq.s32 s10, $0x1;
	s10 =	sld [smem:$0x3FBA]  }
0x3d: {  	_ =	shalt  }
0x3e: {  	_ =	shalt  }
0x3f: {  	_ =	shalt  }
0x40: {  	_ =	shalt  }
0x41: {  	_ =	shalt  }
0x42: {  	_ =	shalt  }
0x43: {  	_ =	shalt  }
0x44: {  	_ =	shalt  }
0x45: {  	_ =	shalt  }
0x46: {  	_ =	shalt  }
0x47: {  	_ =	shalt  }
0x48: {  	_ =	shalt  }
0x49: {  	_ =	shalt  }
0x4a: {  	_ =	shalt  }
0x4b: {  	_ =	shalt  }
0x4c: {  	_ =	shalt  }
0x4d: {  	_ =	shalt  }
0x4e: {  	_ =	shalt  }
0x4f: {  	_ =	shalt  }
0x50: {  	_ =	shalt  }
0x51: {  	_ =	shalt  }
0x52: {  	_ =	shalt  }
0x53: {  	_ =	shalt  }
0x54: {  	_ =	shalt  }
0x55: {  	_ =	shalt  }
0x56: {  	_ =	shalt  }
0x57: {  	_ =	shalt  }
0x58: {  	_ =	shalt  }
0x59: {  	_ =	shalt  }
0x5a: {  	_ =	shalt  }
0x5b: {  	_ =	shalt  }
0x5c: {  	_ =	shalt  }
0x5d: {  	_ =	shalt  }
0x5e: {  	_ =	shalt  }
0x5f: {  	_ =	shalt  }
0x60: {  	_ =	shalt  }
0x61: {  	_ =	shalt  }
0x62: {  	_ =	shalt  }
0x63: {  	_ =	shalt  }
0x64: {  	_ =	shalt  }
0x65: {  	_ =	shalt  }
0x66: {  	_ =	shalt  }
0x67: {  	_ =	shalt  }
0x68: {  	_ =	shalt  }
0x69: {  	_ =	shalt  }
0x6a: {  	_ =	shalt  }
0x6b: {  	_ =	shalt  }
0x6c: {  	_ =	shalt  }
0x6d: {  	_ =	shalt  }
0x6e: {  	_ =	shalt  }
0x6f: {  	_ =	shalt  }
0x70: {  	_ =	shalt  }
0x71: {  	_ =	shalt  }
0x72: {  	_ =	shalt  }
0x73: {  	_ =	shalt  }
0x74: {  	_ =	shalt  }
0x75: {  	_ =	shalt  }
0x76: {  	_ =	shalt  }
0x77: {  	_ =	shalt  }
0x78: {  	_ =	shalt  }
0x79: {  	_ =	shalt  }
0x7a: {  	_ =	shalt  }
0x7b: {  	_ =	shalt  }
0x7c: {  	_ =	shalt  }
0x7d: {  	_ =	shalt  }
0x7e: {  	_ =	shalt  }
0x7f: {  	_ =	shalt  }
0x80: {  	_ =	shalt  }
0x81: {  	_ =	shalt  }
0x82: {  	_ =	shalt  }
0x83: {  	_ =	shalt  }
0x84: {  	_ =	shalt  }
0x85: {  	_ =	shalt  }
0x86: {  	_ =	shalt  }
0x87: {  	_ =	shalt  }
.Lfunc_end0:
.L_simem_size_0:
called_computation.1_lowered:
.L_overlay_start_0:
0x88: {  	s2 =	sld [smem:$0x3FD9]  }
0x89: {  	s3 =	sld [smem:$0x3FFE];
	_ =	sdelay $0x1  }
0x8a: {  	s1 =	srdreg.scid  }
0x8b: {  	s0 =	sand.u32 $0x1, s1  }
0x8c: {  	s17 =	sshll.u32 s0, $0xA;
	s2 =	sadd.s32 s3, s2  }
0x8d: {  	s2 =	sadd.s32 s2, s17  }
0x8e: {  	[smem:$0x3FC6] =	sst s2  }
0x8f: {  	_ = 	snop  }
0x90: {  	s2 =	sld [smem:$0x3FC9]  }
0x91: {  	s18 =	sld [smem:$0x3FD0];
	(tm) =	ssettm $0x1  }
0x92: {  	s4 =	sld [smem:$0x3FFB];
	_ =	sdelay $0x3  }
0x93: {  	_ =	strace s4  }
0x94: {  	s4 =	sld [smem:$0x3FFC];
	_ =	sdelay $0x3  }
0x95: {  	_ =	strace s4  }
0x96: {  	s4 =	sld [smem:$0x3FFD];
	_ =	sdelay $0x3  }
0x97: {  	_ =	strace s4  }
0x98: {  	_ =	strace $0x8FFFFFFF  }
0x99: {  	s19 =	sld [smem:$0x3FDB];
	_ =	sdelay $0x1  }
0x9a: {  	s5 =	simm.s32 $_scs_section_size  }
0x9b: {  	s6 =	simm.s32 $_size__tile_overlayer_lowered;
	s7 =	simm.s32 $_tile_overlayer_lowered  }
0x9c: {  	s22 =	simm.s32 $0x1BFF;
	s21 =	sshll.u32 s7, $0x1;
	s4 =	sadd.s32 s5, s19  }
0x9d: {  	s8 =	simm.s32 $0x0;
	s20 =	sshll.u32 s6, $0x1;
	s6 =	sadd.s32 s21, s4  }
0x9e: {  	[timem:s8], [sflag:s22] =	dma.local [hbm:s6], s20  }
0x9f: {  	_ =	swait.ge [sflag:s22], s20  }
0xa0: {  	s5 =	ssub.s32 $0x0, s20;
	[sflag:s22] =	ssyncset.done $0x0  }
0xa1: {  	[sflag:s22] =	ssyncadd.s32 s5;
	_ =	sdelay $0x1  }
0xa2: {  	s23 =	simm.s32 $0x1B8B  }
0xa3: {  	_ =	swait.ge [sflag:s23], $0x1  }
0xa4: {  	[sflag:s23] =	ssyncset.done $0x0  }
0xa5: {  	s25 =	simm.s32 $0x1B8E;
	s24 =	sld [smem:$0x3FFE];
	[sflag:s23] =	ssyncadd.s32 $0xFFFFFFFF  }
0xa6: {  	s26 =	simm.s32 $execute0_lowered;
	[smem:$0x3FD2] =	sst s25  }
0xa7: {  	s6 =	sshll.u32 s26, $0x1;
	_ =	strace $0x80000046;
	[dreg:$0x1] =	wrdreg $0xFFFFFFFF  }
0xa8: {  	s28 =	simm.s32 $_size_execute0_lowered;
	s4 =	sadd.s32 s4, s6;
	[dreg:$0x0] =	wrdreg $0x0  }
0xa9: {  	s6 =	sshll.u32 s28, $0x1;
	[dreg:$0x2] =	wrdreg s4  }
0xaa: {  	[dreg:$0x3] =	wrdreg s6  }
0xab: {  	[dreg:$0x4] =	wrdreg $0xC0  }
0xac: {  	_ =	task [dreg:s8], $0x5FFFF  }
0xad: {  	[dreg:$0x1] =	wrdreg $0xFFFFFFFF  }
0xae: {  	[dreg:$0x0] =	wrdreg $0x60  }
0xaf: {  	[dreg:$0x2] =	wrdreg s2  }
0xb0: {  	[dreg:$0x3] =	wrdreg s24  }
0xb1: {  	[dreg:$0x4] =	wrdreg s18  }
0xb2: {  	[dreg:$0x5] =	wrdreg $0x9  }
0xb3: {  	_ =	task.clear_ibuf [dreg:s8], $0x6FFFF;
	_ =	strace $0x90000046  }
0xb4: {  	s29 =	simm.s32 $0x9;
	_ =	strace $0x80000048  }
0xb5: {  	_ =	swait.ge [sflag:s29], $0x1  }
0xb6: {  	[sflag:s29] =	ssyncadd.s32 $0xFFFFFFFF  }
0xb7: {  	_ =	strace $0x90000048  }
0xb8: {  	_ =	sfence  }
0xb9: {  	s30 =	sld [smem:$0x0];
	_ =	sdelay $0x2  }
0xba: {  	s31 =	sshll.u32 s1, $0xD;
	s1 =	sshrl.u32 s1, $0x2  }
0xbb: {  	s3 =	sand.u32 $0x4000, s31;
	s1 =	sadd.s32 s1, s30  }
0xbc: {  	s0 =	sor.u32 s3, s0;
	s1 =	sshll.u32 s1, $0x11  }
0xbd: {  	s0 =	sor.u32 s1, s0  }
0xbe: {  	s0 =	sadd.s32 $0x8F2B, s0  }
0xbf: {  	[sflag:s0] =	ssyncadd.remote.s32 $0x1  }
0xc0: {  	_ =	sfence.sel $0xFFFF  }
0xc1: {  	[dreg:$0x0] =	wrdreg $0xFFFFFFFF;
	(pc) =	sbr.abs _section_cstart, $3  }
0xc2: {  	[dreg:$0x1] =	wrdreg $0xFFFFFFFF  }
0xc3: {  	_ =	task.clear_ibuf [dreg:s8], $0x2FFFF;
	_ =	strace $0x9FFFFFFF  }
0xc4: {  	(tm) =	ssettm $0x7FFFFFFF  }
0xc5: {  	_ =	shalt  }
tec
execute0_lowered:
.L_overlay_start_1:
0x0: {  	(tag) =	ssettag $0x1  }
0x1: {  	s0 =	rddreg [dreg:$0x0]  }
0x2: {  	s1 =	rddreg [dreg:$0x1]  }
0x3: {  	s5 =	rddreg [dreg:$0x2]  }
0x4: {  	s3 =	srdreg.scid;
	s10 =	stileid.u32;
	s2 =	simm.s32 $0x0  }
0x5: {  	s11 =	simm.s32 $0xA0;
	s12 =	simm.s32 $0xD20;
	s13 =	simm.s32 $0xF0  }
0x6: {  	s14 =	simm.s32 $0x1220;
	s15 =	simm.s32 $0x140;
	s16 =	simm.s32 $0x1720  }
0x7: {  	s17 =	simm.s32 $0x190;
	s18 =	simm.s32 $0x1C20;
	s19 =	simm.s32 $0x1E0  }
0x8: {  	s20 =	simm.s32 $0x2120;
	s21 =	simm.s32 $0x230;
	s22 =	simm.s32 $0x2620  }
0x9: {  	s23 =	simm.s32 $0x280;
	s24 =	simm.s32 $0x2B20;
	s25 =	simm.s32 $0x2D0  }
0xa: {  	s28 =	simm.s32 $0x1;
	s29 =	simm.s32 $0x0;
	s6 =	smul.u32 $0x61A80, s10  }
0xb: {  	s4 =	sand.u32 $0x1, s3;
	[smem:$0x7FF] =	sst s2;
	s10 =	smul.u32 $0x61A8, s10  }
0xc: {  	s3 =	sadd.s32 $0x800, s1;
	s7 =	ssub.s32 $0x2, s4;
	s8 =	smul.u32 $0x30D40, s4  }
0xd: {  	_ =	strace $0x80000047;
	s30 =	smul.u32 $0x30D4, s4;
	s9 =	sshrl.u32 s7, $0x1  }
0xe: {  	s31 =	sadd.s32 s6, s5;
	s0 =	sadd.s32 s10, s0;
	s10 =	simm.s32 $0x820  }
0xf: {  	s26 =	ssub.s32 s7, s9;
	s5 =	sadd.s32 s8, s31;
	s6 =	sadd.s32 s30, s0  }
0x10: {  	s7 =	simm.s32 $0x2;
	s8 =	simm.s32 $0x50;
	s1 =	smax.u32 s26, $0x1  }
0x11: {  	s9 =	simm.s32 $0x320;
	s26 =	simm.s32 $0x3020;
	[dreg:$0x4] =	wrdreg s1  }
.LBB2_1:
0x12: {  	s0 =	sadd.s32 $0x0, s6  }
0x13: {  	[tilespmem:s2], [sflag:$0x2] =	stream.linear.gather [hbm4b:s0+s2], $0x320, $0x38;
	[tilespmem:$0x3520] =	vst v63  }
0x14: {  	_ =	swait.ge [sflag:s7], $0x320  }
0x15: {  	[sflag:s7] =	ssyncset.done $0x0  }
0x16: {  	[sflag:s7] =	ssyncadd.s32 $0xFFFFFCE0  }
0x17: {  	[tilespmem:s9], [sflag:$0x1] =	stream.indirect.gather [hbm4b:s3+s8], $0x10, s2, s8, $0xb8;
	[tilespmem:$0x3520] =	vst v63  }
0x18: {  	_ = 	snop  }
0x19: {  	[tilespmem:s10], [sflag:$0x1] =	stream.indirect.gather [hbm4b:s3+s8], $0x10, s8, s8, $0xb8;
	[tilespmem:$0x3520] =	vst v63  }
0x1a: {  	_ = 	snop  }
0x1b: {  	[tilespmem:s12], [sflag:$0x1] =	stream.indirect.gather [hbm4b:s3+s8], $0x10, s11, s8, $0xb8;
	[tilespmem:$0x3520] =	vst v63  }
0x1c: {  	_ = 	snop  }
0x1d: {  	[tilespmem:s14], [sflag:$0x1] =	stream.indirect.gather [hbm4b:s3+s8], $0x10, s13, s8, $0xb8;
	[tilespmem:$0x3520] =	vst v63  }
0x1e: {  	_ = 	snop  }
0x1f: {  	[tilespmem:s16], [sflag:$0x1] =	stream.indirect.gather [hbm4b:s3+s8], $0x10, s15, s8, $0xb8;
	[tilespmem:$0x3520] =	vst v63  }
0x20: {  	_ = 	snop  }
0x21: {  	[tilespmem:s18], [sflag:$0x1] =	stream.indirect.gather [hbm4b:s3+s8], $0x10, s17, s8, $0xb8;
	[tilespmem:$0x3520] =	vst v63  }
0x22: {  	_ = 	snop  }
0x23: {  	[tilespmem:s20], [sflag:$0x1] =	stream.indirect.gather [hbm4b:s3+s8], $0x10, s19, s8, $0xb8;
	[tilespmem:$0x3520] =	vst v63  }
0x24: {  	_ = 	snop  }
0x25: {  	[tilespmem:s22], [sflag:$0x1] =	stream.indirect.gather [hbm4b:s3+s8], $0x10, s21, s8, $0xb8;
	[tilespmem:$0x3520] =	vst v63  }
0x26: {  	_ = 	snop  }
0x27: {  	[tilespmem:s24], [sflag:$0x1] =	stream.indirect.gather [hbm4b:s3+s8], $0x10, s23, s8, $0xb8;
	[tilespmem:$0x3520] =	vst v63  }
0x28: {  	_ = 	snop  }
0x29: {  	[tilespmem:s26], [sflag:$0x1] =	stream.indirect.gather [hbm4b:s3+s8], $0x10, s25, s8, $0xb8;
	[tilespmem:$0x3520] =	vst v63  }
0x2a: {  	_ =	swait.ge [sflag:s28], $0x500  }
0x2b: {  	[sflag:s28] =	ssyncset.done $0x0  }
0x2c: {  	[sflag:s28] =	ssyncadd.s32 $0xFFFFFB00  }
0x2d: {  	_ =	swait.ge [sflag:s28], $0x500  }
0x2e: {  	[sflag:s28] =	ssyncset.done $0x0  }
0x2f: {  	[sflag:s28] =	ssyncadd.s32 $0xFFFFFB00  }
0x30: {  	_ =	swait.ge [sflag:s28], $0x500  }
0x31: {  	[sflag:s28] =	ssyncset.done $0x0  }
0x32: {  	[sflag:s28] =	ssyncadd.s32 $0xFFFFFB00  }
0x33: {  	_ =	swait.ge [sflag:s28], $0x500  }
0x34: {  	[sflag:s28] =	ssyncset.done $0x0  }
0x35: {  	[sflag:s28] =	ssyncadd.s32 $0xFFFFFB00  }
0x36: {  	_ =	swait.ge [sflag:s28], $0x500  }
0x37: {  	[sflag:s28] =	ssyncset.done $0x0  }
0x38: {  	[sflag:s28] =	ssyncadd.s32 $0xFFFFFB00  }
0x39: {  	_ =	swait.ge [sflag:s28], $0x500  }
0x3a: {  	[sflag:s28] =	ssyncset.done $0x0  }
0x3b: {  	[sflag:s28] =	ssyncadd.s32 $0xFFFFFB00  }
0x3c: {  	_ =	swait.ge [sflag:s28], $0x500  }
0x3d: {  	[sflag:s28] =	ssyncset.done $0x0  }
0x3e: {  	[sflag:s28] =	ssyncadd.s32 $0xFFFFFB00  }
0x3f: {  	_ =	swait.ge [sflag:s28], $0x500  }
0x40: {  	[sflag:s28] =	ssyncset.done $0x0  }
0x41: {  	[sflag:s28] =	ssyncadd.s32 $0xFFFFFB00  }
0x42: {  	_ =	swait.ge [sflag:s28], $0x500  }
0x43: {  	[sflag:s28] =	ssyncset.done $0x0  }
0x44: {  	[sflag:s28] =	ssyncadd.s32 $0xFFFFFB00  }
0x45: {  	_ =	swait.ge [sflag:s28], $0x500  }
0x46: {  	[sflag:s28] =	ssyncset.done $0x0  }
0x47: {  	[sflag:s28] =	ssyncadd.s32 $0xFFFFFB00  }
0x48: {  	[hbm4b:s5+s2] =	stream.linear.scatter [tilespmem:s9], [sflag:$0x2], $0x3200, $0x38;
	[tilespmem:$0x3520] =	vst v63  }
0x49: {  	s31 =	simm.s32 $0x64;
	_ =	swait.ge [sflag:s7], $0x3200  }
0x4a: {  	s30 =	sadd.s32 $0x640, s5;
	s0 =	simm.s32 $0xC8;
	[sflag:s7] =	ssyncset.done $0x0  }
.LBB2_2:
0x4b: {  	s4 =	sadd.s32 s31, s6  }
0x4c: {  	[sflag:s7] =	ssyncadd.s32 $0xFFFFCE00;
	s31 =	smov.u32 s0;
	s1 =	sadd.s32 $0x64, s0  }
0x4d: {  	[tilespmem:s2], [sflag:$0x2] =	stream.linear.gather [hbm4b:s4+s2], $0x320, $0x38;
	[tilespmem:$0x3520] =	vst v63  }
0x4e: {  	p0 =	sne.s32 s0, $0x3070;
	_ =	swait.ge [sflag:s7], $0x320  }
0x4f: {  	[sflag:s7] =	ssyncset.done $0x0  }
0x50: {  	[sflag:s7] =	ssyncadd.s32 $0xFFFFFCE0  }
0x51: {  	[tilespmem:s9], [sflag:$0x1] =	stream.indirect.gather [hbm4b:s3+s8], $0x10, s2, s8, $0xb8;
	[tilespmem:$0x3520] =	vst v63  }
0x52: {  	_ = 	snop  }
0x53: {  	[tilespmem:s10], [sflag:$0x1] =	stream.indirect.gather [hbm4b:s3+s8], $0x10, s8, s8, $0xb8;
	[tilespmem:$0x3520] =	vst v63  }
0x54: {  	_ = 	snop  }
0x55: {  	[tilespmem:s12], [sflag:$0x1] =	stream.indirect.gather [hbm4b:s3+s8], $0x10, s11, s8, $0xb8;
	[tilespmem:$0x3520] =	vst v63  }
0x56: {  	_ = 	snop  }
0x57: {  	[tilespmem:s14], [sflag:$0x1] =	stream.indirect.gather [hbm4b:s3+s8], $0x10, s13, s8, $0xb8;
	[tilespmem:$0x3520] =	vst v63  }
0x58: {  	_ = 	snop  }
0x59: {  	[tilespmem:s16], [sflag:$0x1] =	stream.indirect.gather [hbm4b:s3+s8], $0x10, s15, s8, $0xb8;
	[tilespmem:$0x3520] =	vst v63  }
0x5a: {  	_ = 	snop  }
0x5b: {  	[tilespmem:s18], [sflag:$0x1] =	stream.indirect.gather [hbm4b:s3+s8], $0x10, s17, s8, $0xb8;
	[tilespmem:$0x3520] =	vst v63  }
0x5c: {  	_ = 	snop  }
0x5d: {  	[tilespmem:s20], [sflag:$0x1] =	stream.indirect.gather [hbm4b:s3+s8], $0x10, s19, s8, $0xb8;
	[tilespmem:$0x3520] =	vst v63  }
0x5e: {  	_ = 	snop  }
0x5f: {  	[tilespmem:s22], [sflag:$0x1] =	stream.indirect.gather [hbm4b:s3+s8], $0x10, s21, s8, $0xb8;
	[tilespmem:$0x3520] =	vst v63  }
0x60: {  	_ = 	snop  }
0x61: {  	[tilespmem:s24], [sflag:$0x1] =	stream.indirect.gather [hbm4b:s3+s8], $0x10, s23, s8, $0xb8;
	[tilespmem:$0x3520] =	vst v63  }
0x62: {  	_ = 	snop  }
0x63: {  	[tilespmem:s26], [sflag:$0x1] =	stream.indirect.gather [hbm4b:s3+s8], $0x10, s25, s8, $0xb8;
	[tilespmem:$0x3520] =	vst v63  }
0x64: {  	_ =	swait.ge [sflag:s28], $0x500  }
0x65: {  	[sflag:s28] =	ssyncset.done $0x0  }
0x66: {  	[sflag:s28] =	ssyncadd.s32 $0xFFFFFB00  }
0x67: {  	_ =	swait.ge [sflag:s28], $0x500  }
0x68: {  	[sflag:s28] =	ssyncset.done $0x0  }
0x69: {  	[sflag:s28] =	ssyncadd.s32 $0xFFFFFB00  }
0x6a: {  	_ =	swait.ge [sflag:s28], $0x500  }
0x6b: {  	[sflag:s28] =	ssyncset.done $0x0  }
0x6c: {  	[sflag:s28] =	ssyncadd.s32 $0xFFFFFB00  }
0x6d: {  	_ =	swait.ge [sflag:s28], $0x500  }
0x6e: {  	[sflag:s28] =	ssyncset.done $0x0  }
0x6f: {  	[sflag:s28] =	ssyncadd.s32 $0xFFFFFB00  }
0x70: {  	_ =	swait.ge [sflag:s28], $0x500  }
0x71: {  	[sflag:s28] =	ssyncset.done $0x0  }
0x72: {  	[sflag:s28] =	ssyncadd.s32 $0xFFFFFB00  }
0x73: {  	_ =	swait.ge [sflag:s28], $0x500  }
0x74: {  	[sflag:s28] =	ssyncset.done $0x0  }
0x75: {  	[sflag:s28] =	ssyncadd.s32 $0xFFFFFB00  }
0x76: {  	_ =	swait.ge [sflag:s28], $0x500  }
0x77: {  	[sflag:s28] =	ssyncset.done $0x0  }
0x78: {  	[sflag:s28] =	ssyncadd.s32 $0xFFFFFB00  }
0x79: {  	_ =	swait.ge [sflag:s28], $0x500  }
0x7a: {  	[sflag:s28] =	ssyncset.done $0x0  }
0x7b: {  	[sflag:s28] =	ssyncadd.s32 $0xFFFFFB00  }
0x7c: {  	_ =	swait.ge [sflag:s28], $0x500  }
0x7d: {  	[sflag:s28] =	ssyncset.done $0x0  }
0x7e: {  	[sflag:s28] =	ssyncadd.s32 $0xFFFFFB00  }
0x7f: {  	_ =	swait.ge [sflag:s28], $0x500  }
.Ltmp0:
0x80: {  	[sflag:s28] =	ssyncset.done $0x0;
	(pc) =	sbr.rel @p0 .LBB2_2-.Ltmp0, $4  }
0x81: {  	[sflag:s28] =	ssyncadd.s32 $0xFFFFFB00  }
0x82: {  	[hbm4b:s30+s2] =	stream.linear.scatter [tilespmem:s9], [sflag:$0x2], $0x3200, $0x38;
	[tilespmem:$0x3520] =	vst v63  }
0x83: {  	_ =	swait.ge [sflag:s7], $0x3200  }
0x84: {  	s0 =	smov.u32 s1;
	s30 =	sadd.s32 $0x640, s30;
	[sflag:s7] =	ssyncset.done $0x0  }
0x85: {  	s0 =	sadd.s32 s31, s6;
	[sflag:s7] =	ssyncadd.s32 $0xFFFFCE00  }
0x86: {  	[tilespmem:s2], [sflag:$0x2] =	stream.linear.gather [hbm4b:s0+s2], $0x320, $0x38;
	[tilespmem:$0x3520] =	vst v63  }
0x87: {  	_ =	swait.ge [sflag:s7], $0x320  }
0x88: {  	[sflag:s7] =	ssyncset.done $0x0  }
0x89: {  	[sflag:s7] =	ssyncadd.s32 $0xFFFFFCE0  }
0x8a: {  	[tilespmem:s9], [sflag:$0x1] =	stream.indirect.gather [hbm4b:s3+s8], $0x10, s2, s8, $0xb8;
	[tilespmem:$0x3520] =	vst v63  }
0x8b: {  	_ = 	snop  }
0x8c: {  	[tilespmem:s10], [sflag:$0x1] =	stream.indirect.gather [hbm4b:s3+s8], $0x10, s8, s8, $0xb8;
	[tilespmem:$0x3520] =	vst v63  }
0x8d: {  	_ = 	snop  }
0x8e: {  	[tilespmem:s12], [sflag:$0x1] =	stream.indirect.gather [hbm4b:s3+s8], $0x10, s11, s8, $0xb8;
	[tilespmem:$0x3520] =	vst v63  }
0x8f: {  	_ = 	snop  }
0x90: {  	[tilespmem:s14], [sflag:$0x1] =	stream.indirect.gather [hbm4b:s3+s8], $0x10, s13, s8, $0xb8;
	[tilespmem:$0x3520] =	vst v63  }
0x91: {  	_ = 	snop  }
0x92: {  	[tilespmem:s16], [sflag:$0x1] =	stream.indirect.gather [hbm4b:s3+s8], $0x10, s15, s8, $0xb8;
	[tilespmem:$0x3520] =	vst v63  }
0x93: {  	_ = 	snop  }
0x94: {  	[tilespmem:s18], [sflag:$0x1] =	stream.indirect.gather [hbm4b:s3+s8], $0x10, s17, s8, $0xb8;
	[tilespmem:$0x3520] =	vst v63  }
0x95: {  	_ = 	snop  }
0x96: {  	[tilespmem:s20], [sflag:$0x1] =	stream.indirect.gather [hbm4b:s3+s8], $0x10, s19, s8, $0xb8;
	[tilespmem:$0x3520] =	vst v63  }
0x97: {  	_ = 	snop  }
0x98: {  	[tilespmem:s22], [sflag:$0x1] =	stream.indirect.gather [hbm4b:s3+s8], $0x10, s21, s8, $0xb8;
	[tilespmem:$0x3520] =	vst v63  }
0x99: {  	_ = 	snop  }
0x9a: {  	[tilespmem:s24], [sflag:$0x1] =	stream.indirect.gather [hbm4b:s3+s8], $0x10, s23, s8, $0xb8;
	[tilespmem:$0x3520] =	vst v63  }
0x9b: {  	_ = 	snop  }
0x9c: {  	[tilespmem:s26], [sflag:$0x1] =	stream.indirect.gather [hbm4b:s3+s8], $0x10, s25, s8, $0xb8;
	[tilespmem:$0x3520] =	vst v63  }
0x9d: {  	_ =	swait.ge [sflag:s28], $0x500  }
0x9e: {  	[sflag:s28] =	ssyncset.done $0x0  }
0x9f: {  	[sflag:s28] =	ssyncadd.s32 $0xFFFFFB00  }
0xa0: {  	_ =	swait.ge [sflag:s28], $0x500  }
0xa1: {  	[sflag:s28] =	ssyncset.done $0x0  }
0xa2: {  	[sflag:s28] =	ssyncadd.s32 $0xFFFFFB00  }
0xa3: {  	_ =	swait.ge [sflag:s28], $0x500  }
0xa4: {  	[sflag:s28] =	ssyncset.done $0x0  }
0xa5: {  	[sflag:s28] =	ssyncadd.s32 $0xFFFFFB00  }
0xa6: {  	_ =	swait.ge [sflag:s28], $0x500  }
0xa7: {  	[sflag:s28] =	ssyncset.done $0x0  }
0xa8: {  	[sflag:s28] =	ssyncadd.s32 $0xFFFFFB00  }
0xa9: {  	_ =	swait.ge [sflag:s28], $0x500  }
0xaa: {  	[sflag:s28] =	ssyncset.done $0x0  }
0xab: {  	[sflag:s28] =	ssyncadd.s32 $0xFFFFFB00  }
0xac: {  	_ =	swait.ge [sflag:s28], $0x500  }
0xad: {  	[sflag:s28] =	ssyncset.done $0x0  }
0xae: {  	[sflag:s28] =	ssyncadd.s32 $0xFFFFFB00  }
0xaf: {  	_ =	swait.ge [sflag:s28], $0x500  }
0xb0: {  	[sflag:s28] =	ssyncset.done $0x0  }
0xb1: {  	[sflag:s28] =	ssyncadd.s32 $0xFFFFFB00  }
0xb2: {  	_ =	swait.ge [sflag:s28], $0x500  }
0xb3: {  	[sflag:s28] =	ssyncset.done $0x0  }
0xb4: {  	[sflag:s28] =	ssyncadd.s32 $0xFFFFFB00  }
0xb5: {  	_ =	swait.ge [sflag:s28], $0x500  }
0xb6: {  	[sflag:s28] =	ssyncset.done $0x0  }
0xb7: {  	[sflag:s28] =	ssyncadd.s32 $0xFFFFFB00  }
0xb8: {  	_ =	swait.ge [sflag:s28], $0x500  }
0xb9: {  	[sflag:s28] =	ssyncset.done $0x0  }
0xba: {  	[sflag:s28] =	ssyncadd.s32 $0xFFFFFB00  }
0xbb: {  	[hbm4b:s30+s2] =	stream.linear.scatter [tilespmem:s9], [sflag:$0x2], $0x3200, $0x38;
	[tilespmem:$0x3520] =	vst v63  }
0xbc: {  	_ =	swait.ge [sflag:s7], $0x3200  }
0xbd: {  	s29 =	sadd.s32 $0x1, s29;
	s31 =	rddreg [dreg:$0x4]  }
0xbe: {  	p0 =	sne.s32 s29, s31  }
.Ltmp1:
0xbf: {  	_ = 	snop;
	(pc) =	sbr.rel @p0 .LBB2_1-.Ltmp1, $3  }
0xc0: {  	_ =	sdelay $0x1  }
0xc1: {  	[sflag:s7] =	ssyncset.done $0x0  }
0xc2: {  	[sflag:s7] =	ssyncadd.s32 $0xFFFFCE00  }
0xc3: {  	_ =	sfence.sel $0x180000  }
0xc4: {  	[bflag:$0x0] =	sbarrier.arrive $0xFFFF  }
0xc5: {  	_ =	strace $0x90000047  }
0xc6: {  	s0 =	stileid.u32;
	[bflag:$0x2] =	sbarrier.arrive $0xFFFF  }
0xc7: {  	p0 =	sne.s32 s0, $0x0;
	s0 =	rddreg [dreg:$0x3]  }
0xc8: {  	s0 =	sadd.s32 @!p0 $0x100000, s0  }
0xc9: {  	[sflag:s0] =	ssyncadd.tile.s32 @!p0 $0x1;
	_ =	shalt  }
.Lfunc_end2:
_tile_overlayer_lowered:
.L_overlay_start_2:
0xca: {  	(tag) =	ssettag $0x2  }
0xcb: {  	s0 =	rddreg [dreg:$0x0];
	s2 =	stileid.u32  }
0xcc: {  	s1 =	rddreg [dreg:$0x1];
	p0 =	sne.s32 s2, $0x0  }
0xcd: {  	s3 =	rddreg [dreg:$0x2];
	[bflag:$0x3] =	sbarrier.arrive $0xFFFF;
	s2 =	simm.s32 @!p0 $0x1C02  }
0xce: {  	[timem:s3], [sflag:s2] =	dma.local @!p0 [hbm:s0], s1  }
0xcf: {  	s0 =	simm.s32 @!p0 $0x2  }
0xd0: {  	_ =	swait.ge @!p0 [sflag:s0], s1  }
0xd1: {  	s1 =	ssub.s32 @!p0 $0x0, s1;
	[sflag:s0] =	ssyncset.done @!p0 $0x0  }
0xd2: {  	[sflag:s0] =	ssyncadd.s32 @!p0 s1  }
0xd3: {  	[bflag:$0x3] =	sbarrier.arrive $0xFFFF  }
0xd4: {  	_ =	shalt  }

// kernel: sparse-core-data-format-call.cloned.1.call-start
scs
called_computation_lowered:
.L_overlay_start_0:
0x0: {  	s2 =	sld [smem:$0x3FD9]  }
0x1: {  	s3 =	sld [smem:$0x3FFE];
	_ =	sdelay $0x1  }
0x2: {  	s1 =	srdreg.scid  }
0x3: {  	s0 =	sand.u32 $0x1, s1  }
0x4: {  	s18 =	sshll.u32 s0, $0xA;
	s2 =	sadd.s32 s3, s2  }
0x5: {  	s2 =	sadd.s32 s2, s18  }
0x6: {  	[smem:$0x3FC6] =	sst s2  }
0x7: {  	_ = 	snop  }
0x8: {  	s2 =	sld [smem:$0x3FD0];
	(tm) =	ssettm $0x1  }
0x9: {  	s19 =	sld [smem:$0x3FFB];
	_ =	sdelay $0x3  }
0xa: {  	_ =	strace s19  }
0xb: {  	s3 =	sld [smem:$0x3FFC];
	_ =	sdelay $0x3  }
0xc: {  	_ =	strace s3  }
0xd: {  	s3 =	sld [smem:$0x3FFD];
	_ =	sdelay $0x3  }
0xe: {  	_ =	strace s3  }
0xf: {  	_ =	strace $0x8FFFFFFF  }
0x10: {  	s20 =	sld [smem:$0x3FDB];
	_ =	sdelay $0x1  }
0x11: {  	s4 =	simm.s32 $_scs_section_size  }
0x12: {  	s5 =	simm.s32 $_size__tile_overlayer_lowered;
	s6 =	simm.s32 $_tile_overlayer_lowered  }
0x13: {  	s23 =	simm.s32 $0x1BFF;
	s22 =	sshll.u32 s6, $0x1;
	s3 =	sadd.s32 s4, s20  }
0x14: {  	s7 =	simm.s32 $0x0;
	s21 =	sshll.u32 s5, $0x1;
	s5 =	sadd.s32 s22, s3  }
0x15: {  	[timem:s7], [sflag:s23] =	dma.local [hbm:s5], s21  }
0x16: {  	_ =	swait.ge [sflag:s23], s21  }
0x17: {  	s4 =	ssub.s32 $0x0, s21;
	[sflag:s23] =	ssyncset.done $0x0  }
0x18: {  	[sflag:s23] =	ssyncadd.s32 s4;
	_ =	sdelay $0x1  }
0x19: {  	s24 =	simm.s32 $0x1B8B  }
0x1a: {  	_ =	swait.ge [sflag:s24], $0x1  }
0x1b: {  	[sflag:s24] =	ssyncset.done $0x0  }
0x1c: {  	s26 =	simm.s32 $0x1B8E;
	s25 =	sld [smem:$0x3FFE];
	[sflag:s24] =	ssyncadd.s32 $0xFFFFFFFF  }
0x1d: {  	s27 =	simm.s32 $execute0_lowered;
	[smem:$0x3FD2] =	sst s26  }
0x1e: {  	s5 =	sshll.u32 s27, $0x1;
	_ =	strace $0x80000049;
	[dreg:$0x1] =	wrdreg $0xFFFFFFFF  }
0x1f: {  	s28 =	simm.s32 $_size_execute0_lowered;
	s3 =	sadd.s32 s3, s5;
	[dreg:$0x0] =	wrdreg $0x0  }
0x20: {  	s5 =	sshll.u32 s28, $0x1;
	[dreg:$0x2] =	wrdreg s3  }
0x21: {  	[dreg:$0x3] =	wrdreg s5  }
0x22: {  	[dreg:$0x4] =	wrdreg $0xC0  }
0x23: {  	_ =	task [dreg:s7], $0x5FFFF  }
0x24: {  	[dreg:$0x1] =	wrdreg $0xFFFFFFFF  }
0x25: {  	[dreg:$0x0] =	wrdreg $0x60  }
0x26: {  	[dreg:$0x2] =	wrdreg s25  }
0x27: {  	[dreg:$0x3] =	wrdreg s2  }
0x28: {  	[dreg:$0x4] =	wrdreg $0x9  }
0x29: {  	_ =	task.clear_ibuf [dreg:s7], $0x5FFFF;
	_ =	strace $0x90000049  }
0x2a: {  	s29 =	simm.s32 $0x9;
	_ =	strace $0x8000004B  }
0x2b: {  	_ =	swait.ge [sflag:s29], $0x1  }
0x2c: {  	[sflag:s29] =	ssyncadd.s32 $0xFFFFFFFF  }
0x2d: {  	_ =	strace $0x9000004B  }
0x2e: {  	_ =	sfence  }
0x2f: {  	s30 =	sld [smem:$0x0];
	_ =	sdelay $0x2  }
0x30: {  	s31 =	sshll.u32 s1, $0xD;
	s1 =	sshrl.u32 s1, $0x2  }
0x31: {  	s3 =	sand.u32 $0x4000, s31;
	s1 =	sadd.s32 s1, s30  }
0x32: {  	s0 =	sor.u32 s3, s0;
	s1 =	sshll.u32 s1, $0x11  }
0x33: {  	s0 =	sor.u32 s1, s0  }
0x34: {  	s0 =	sadd.s32 $0x8F2B, s0  }
0x35: {  	[sflag:s0] =	ssyncadd.remote.s32 $0x1  }
0x36: {  	_ =	sfence.sel $0xFFFF  }
0x37: {  	[dreg:$0x0] =	wrdreg $0xFFFFFFFF;
	(pc) =	sbr.abs _section_cstart, $3  }
0x38: {  	[dreg:$0x1] =	wrdreg $0xFFFFFFFF  }
0x39: {  	_ =	task.clear_ibuf [dreg:s7], $0x2FFFF;
	_ =	strace $0x9FFFFFFF  }
0x3a: {  	(tm) =	ssettm $0x7FFFFFFF  }
0x3b: {  	_ =	shalt  }
tec
execute0_lowered:
.L_overlay_start_1:
0x0: {  	(tag) =	ssettag $0x1  }
0x1: {  	s0 =	srdreg.scid  }
0x2: {  	s1 =	sshll.u32 s0, $0x4  }
0x3: {  	s4 =	rddreg [dreg:$0x0];
	s0 =	stileid.u32;
	s1 =	sand.u32 $0x10, s1  }
0x4: {  	s2 =	rddreg [dreg:$0x1];
	s7 =	simm.s32 $0x1;
	s1 =	sor.u32 s0, s1  }
0x5: {  	s8 =	simm.s32 $0x2;
	s11 =	simm.s32 $0x0;
	s3 =	sshll.u32 s1, $0x7  }
0x6: {  	s10 =	simm.s32 $0x0;
	s4 =	sadd.s32 $0x800, s4;
	s6 =	ssub.s32 $0x30D400, s3  }
.Ltmp0:
0x7: {  	s1 =	rddreg [dreg:$0x2];
	s5 =	sand.u32 $0xF80, s6;
	(pc) =	sbr.rel .LBB1_1-.Ltmp0, $4  }
0x8: {  	_ =	strace $0x8000004A;
	s9 =	smov.u32 s3;
	p0 =	sne.s32 s5, $0x0  }
0x9: {  	s6 =	sshrl.u32 s6, $0xC;
	s5 =	simm.s32 $0x1;
	s7 =	simm.s32 @!p0 $0x0  }
0xa: {  	[sflag:s5] =	ssyncpa.u1 $0x0;
	p0 =	por $0x0, $0x0;
	s6 =	sadd.s32 s7, s6  }
0xb: {  	[sflag:s8] =	ssyncpa.u1 $0x0;
	s8 =	simm.s32 $0x186A000;
	s7 =	sadd.s32 $0x1, s6  }
.LBB1_4:
0xc: {  	s14 =	sshll.u32 s11, $0x3  }
0xd: {  	s15 =	sshrl.u32 s14, $0xA  }
0xe: {  	s15 =	smulhi.u32 $0x53E2D7, s15;
	_ =	sdelay $0x1  }
0xf: {  	s15 =	sshrl.u32 s15, $0x2  }
0x10: {  	s28 =	sand.u32 $0x7F, s11;
	s14 =	sand.u32 $0xFFFFFC00, s14;
	s16 =	smul.u32 $0x30D400, s15  }
0x11: {  	[tilespmem:s12+$0xFFFFFFFC ss:$0x81] =	vst.msk $0xffff, v1;
	s11 =	sor.u32 s28, s14;
	s29 =	sand.u32 $0xF, s15  }
0x12: {  	[tilespmem:s12+$0xFFFFFFFD ss:$0x81] =	vst.msk $0xffff, v2;
	s14 =	smul.u32 $0x61A80, s29;
	s11 =	ssub.s32 s11, s16  }
0x13: {  	[tilespmem:s12+$0xFFFFFFFE ss:$0x81] =	vst.msk $0xffff, v0;
	s30 =	sand.u32 $0x7, s11  }
0x14: {  	[tilespmem:s12+$0xFFFFFFFF ss:$0x81] =	vst.msk $0xffff, v4;
	s11 =	sshrl.u32 s11, $0x3;
	s14 =	sadd.s32 s2, s14;
	s15 =	sshll.u32 s30, $0x12  }
0x15: {  	[tilespmem:s12+$0xFFFFFFF9 ss:$0x81] =	vst.msk $0xffff, v3;
	s11 =	sadd.s32 s11, s14;
	s31 =	sor.u32 $0x400, s15  }
0x16: {  	[hbm4b:s11+s31] =	stream.strided.scatter [tilespmem:s13], [sflag:$0x2], $0x800, s8, s31, $0x20;
	[tilespmem:$0x2020] =	vst v63  }
.LBB1_5:
0x17: {  	s13 =	sadd.s32 $0x1000, s9  }
0x18: {  	p2 =	sgt.s32 s13, $0x30D3FF  }
0x19: {  	s13 =	smov.u32 @p2 s3;
	p2 =	sne.s32 s10, s7  }
.Ltmp1:
0x1a: {  	p1 =	slt.u32 s10, $0x2;
	(pc) =	sbr.rel @!p2 .LBB1_6-.Ltmp1, $4  }
0x1b: {  	s12 =	simm.s32 @!p1 $0x2  }
0x1c: {  	s14 =	sadd.s32 $0x1, s10;
	_ =	swait.ge @!p1 [sflag:s12], $0x800  }
0x1d: {  	s11 =	smov.u32 s9;
	p0 =	por !p0, !p0;
	[sflag:s12] =	ssyncset.done @!p1 $0x0  }
0x1e: {  	s10 =	smov.u32 s14;
	s9 =	smov.u32 s13;
	[sflag:s12] =	ssyncadd.s32 @!p1 $0xFFFFF800  }
.LBB1_1:
0x1f: {  	p1 =	sge.u32 s10, s6  }
0x20: {  	s12 =	sand.u32 @!p1 $0x1FFFFFF, s9  }
0x21: {  	s13 =	smulhi.u32 @!p1 $0x14F8B59, s12;
	_ =	sdelay $0x1  }
0x22: {  	s13 =	sshrl.u32 @!p1 s13, $0xE  }
0x23: {  	s13 =	smul.u32 @!p1 $0x30D400, s13;
	_ =	sdelay $0x1  }
0x24: {  	s31 =	sadd.s32 $0xFFFFFFFF, s10;
	s14 =	sxor.u32 @!p1 $0xFFFFFFFF, s10;
	s12 =	ssub.s32 @!p1 s12, s13  }
0x25: {  	s15 =	simm.s32 @!p1 $0x80;
	s14 =	sshll.u32 @!p1 s14, $0xB;
	s12 =	sshll.u32 @!p1 s12, $0x4  }
0x26: {  	s13 =	sand.u32 @!p1 $0x800, s14;
	s14 =	simm.s32 @!p1 $0x10;
	s12 =	sadd.s32 @!p1 s4, s12  }
0x27: {  	[tilespmem:s13], [sflag:$0x1] =	stream.strided.gather @!p1 [hbm4b:s12+s14], $0x800, s15, s14, $0x38;
	[tilespmem:$0x2020] =	vst v63  }
0x28: {  	p1 =	sge.u32 s31, s6  }
.Ltmp2:
0x29: {  	_ = 	snop;
	(pc) =	sbr.rel @p1 .LBB1_5-.Ltmp2, $1  }
0x2a: {  	_ =	sdelay $0x3  }
0x2b: {  	s12 =	simm.s32 $0x1  }
0x2c: {  	_ =	swait.ge [sflag:s5], $0x800;
	s12 =	simm.s32 @!p0 $0x0  }
0x2d: {  	[sflag:s5] =	ssyncset.done $0x0;
	s13 =	sshll.u32 s12, $0xB  }
0x2e: {  	[sflag:s5] =	ssyncadd.s32 $0xFFFFF800;
	s15 =	sor.u32 $0x40, s13  }
0x2f: {  	v3 =	vld [tilespmem:s15+$0x30]  }
0x30: {  	s12 =	smul.u32 $0x2040, s12;
	v4 =	vld [tilespmem:s15+$0xFFFFFFD0]  }
0x31: {  	v5 =	vld [tilespmem:s15+$0xFFFFFFE0]  }
0x32: {  	s31 =	sand.u32 $0x1, s10;
	s12 =	sshrl.u32 s12, $0x2;
	v1 =	vld [tilespmem:s15+$0xFFFFFFF0]  }
0x33: {  	s13 =	smul.u32 $0x2040, s31;
	v2 =	vld [tilespmem:s15+$0x0];
	s12 =	sor.u32 $0x1007, s12  }
0x34: {  	v0 =	vld [tilespmem:s15+$0x10];
	[tilespmem:s12+$0x0 ss:$0x81] =	vst.msk $0xffff, v3  }
0x35: {  	s13 =	sshrl.u32 s13, $0x2;
	[tilespmem:s12+$0xFFFFFFFA ss:$0x81] =	vst.msk $0xffff, v4;
	v4 =	vld [tilespmem:s15+$0x20]  }
0x36: {  	s14 =	simm.s32 $0x0;
	s13 =	sor.u32 $0x1000, s13;
	v3 =	vld [tilespmem:s15+$0xFFFFFFC0];
	[tilespmem:s12+$0xFFFFFFFB ss:$0x81] =	vst.msk $0xffff, v5;
	s15 =	sadd.s32 $0x80, s15  }
.LBB1_3:
0x37: {  	v5 =	vld [tilespmem:s15+$0x30];
	s14 =	sadd.s32 $0x8, s14;
	[tilespmem:s12+$0xFFFFFFFC ss:$0x81] =	vst.msk $0xffff, v1  }
0x38: {  	v6 =	vld [tilespmem:s15+$0xFFFFFFD0];
	p1 =	slt.u32 s14, $0x78;
	[tilespmem:s12+$0xFFFFFFFD ss:$0x81] =	vst.msk $0xffff, v2  }
0x39: {  	v7 =	vld [tilespmem:s15+$0xFFFFFFE0];
	[tilespmem:s12+$0xFFFFFFFE ss:$0x81] =	vst.msk $0xffff, v0  }
.Ltmp3:
0x3a: {  	v1 =	vld [tilespmem:s15+$0xFFFFFFF0];
	[tilespmem:s12+$0xFFFFFFFF ss:$0x81] =	vst.msk $0xffff, v4;
	(pc) =	sbr.rel @p1 .LBB1_3-.Ltmp3, $4  }
0x3b: {  	v2 =	vld [tilespmem:s15+$0x0];
	[tilespmem:s12+$0xFFFFFFF9 ss:$0x81] =	vst.msk $0xffff, v3;
	s12 =	sadd.s32 $0x8, s12  }
0x3c: {  	v0 =	vld [tilespmem:s15+$0x10];
	[tilespmem:s12+$0x0 ss:$0x81] =	vst.msk $0xffff, v5  }
0x3d: {  	[tilespmem:s12+$0xFFFFFFFA ss:$0x81] =	vst.msk $0xffff, v6;
	v4 =	vld [tilespmem:s15+$0x20]  }
0x3e: {  	v3 =	vld [tilespmem:s15+$0xFFFFFFC0];
	[tilespmem:s12+$0xFFFFFFFB ss:$0x81] =	vst.msk $0xffff, v7;
	s15 =	sadd.s32 $0x80, s15  }
.Ltmp4:
0x3f: {  	_ = 	snop;
	(pc) =	sbr.rel .LBB1_4-.Ltmp4, $1  }
0x40: {  	_ =	sdelay $0x3  }
.LBB1_6:
0x41: {  	_ =	sfence.sel $0x180000  }
0x42: {  	s2 =	simm.s32 $0x1;
	[bflag:$0x0] =	sbarrier.arrive $0xFFFF  }
0x43: {  	s31 =	simm.s32 $0x2;
	[sflag:s2] =	ssyncpa.u1 $0x1  }
0x44: {  	[sflag:s31] =	ssyncpa.u1 $0x1  }
0x45: {  	p0 =	sne.s32 s0, $0x0;
	_ =	strace $0x9000004A  }
0x46: {  	s0 =	sadd.s32 @!p0 $0x100000, s1;
	[bflag:$0x2] =	sbarrier.arrive $0xFFFF  }
0x47: {  	[sflag:s0] =	ssyncadd.tile.s32 @!p0 $0x1;
	_ =	shalt  }
.Lfunc_end1:
_tile_overlayer_lowered:
.L_overlay_start_2:
0x48: {  	(tag) =	ssettag $0x2  }
0x49: {  	s0 =	rddreg [dreg:$0x0];
	s2 =	stileid.u32  }
0x4a: {  	s1 =	rddreg [dreg:$0x1];
	p0 =	sne.s32 s2, $0x0  }
0x4b: {  	s3 =	rddreg [dreg:$0x2];
	[bflag:$0x3] =	sbarrier.arrive $0xFFFF;
	s2 =	simm.s32 @!p0 $0x1C01  }
0x4c: {  	[timem:s3], [sflag:s2] =	dma.local @!p0 [hbm:s0], s1  }
0x4d: {  	s0 =	simm.s32 @!p0 $0x1  }
0x4e: {  	_ =	swait.ge @!p0 [sflag:s0], s1  }
0x4f: {  	s1 =	ssub.s32 @!p0 $0x0, s1;
	[sflag:s0] =	ssyncset.done @!p0 $0x0  }
0x50: {  	[sflag:s0] =	ssyncadd.s32 @!p0 s1  }
0x51: {  	[bflag:$0x3] =	sbarrier.arrive $0xFFFF  }
0x52: {  	_ =	shalt  }

</sc_bundles>
